<compile_context>
chip_gen: v7x
topology: tpu7x:2x2x1
jax: 0.10.2.dev20260603
libtpu: 0.0.44.dev20260713+nightly
codegen_flags: <defaults>
</compile_context>

<pallas_src>
import functools

import jax
import jax.numpy as jnp
from jax import lax
from jax.experimental import pallas as pl
from jax.experimental.pallas import tpu as pltpu
from jax.experimental.pallas import tpu_sc as plsc

_EPS = 1e-5
_NC = 2
_NS = 16
_NW = _NC * _NS
_STAGE_ROWS = 64


def _ln_table(table_ref, gamma_ref, beta_ref, out_ref):
    t = table_ref[...]
    mean = jnp.mean(t, axis=1, keepdims=True)
    cen = t - mean
    var = jnp.mean(cen * cen, axis=1, keepdims=True)
    out_ref[...] = cen * lax.rsqrt(var + _EPS) * gamma_ref[...] + beta_ref[...]


def kernel(task_id, batch_size, table, gamma, beta):
    V, D = table.shape
    B = task_id.shape[0]

    normed = pl.pallas_call(
        _ln_table,
        out_shape=jax.ShapeDtypeStruct((V, D), jnp.float32),
    )(table, gamma.reshape(1, D), beta.reshape(1, D))

    rows_per_w = B // _NW
    chunks = (32, 96, 128, 128, 128)
    offs = (0, 32, 128, 256, 384)
    n_chunks = len(chunks)
    idx_flat = task_id.astype(jnp.int32)
    full_stage_tiles = V // _STAGE_ROWS
    tail_rows = V - full_stage_tiles * _STAGE_ROWS

    mesh = plsc.VectorSubcoreMesh(core_axis_name="c", subcore_axis_name="s")

    @functools.partial(
        pl.kernel,
        mesh=mesh,
        out_type=jax.ShapeDtypeStruct((B, D), jnp.float32),
        scratch_types=[
            pltpu.VMEM((rows_per_w,), jnp.int32),
            pltpu.VMEM((rows_per_w, D), jnp.float32),
            pltpu.VMEM_SHARED((V, D), jnp.float32),
            pltpu.SemaphoreType.DMA,
            pltpu.SemaphoreType.DMA,
            pltpu.SemaphoreType.DMA,
            pltpu.SemaphoreType.DMA,
        ],
    )
    def _gather(idx_hbm, tab_hbm, out_hbm, idx_v, rows_v, shared_tab,
                g0, g1, w0, w1):
        sid = lax.axis_index("s")
        wid = sid * _NC + lax.axis_index("c")
        base = wid * rows_per_w
        gsem = (g0, g1)
        wsem = (w0, w1)
        pltpu.sync_copy(idx_hbm.at[pl.ds(base, rows_per_w)], idx_v)

        def fire_gather(c, src):
            return pltpu.async_copy(
                src.at[idx_v.at[pl.ds(offs[c], chunks[c])]],
                rows_v.at[pl.ds(offs[c], chunks[c])],
                gsem[c % 2],
            )

        def fire_wb(c):
            return pltpu.async_copy(
                rows_v.at[pl.ds(offs[c], chunks[c])],
                out_hbm.at[pl.ds(base + offs[c], chunks[c])],
                wsem[c % 2],
            )

        @pl.when(sid < full_stage_tiles)
        def _stage():
            r0 = sid * _STAGE_ROWS
            pltpu.sync_copy(
                tab_hbm.at[pl.ds(r0, _STAGE_ROWS)],
                shared_tab.at[pl.ds(r0, _STAGE_ROWS)],
            )

        @pl.when(sid == full_stage_tiles)
        def _stage_tail():
            r0 = full_stage_tiles * _STAGE_ROWS
            pltpu.sync_copy(
                tab_hbm.at[pl.ds(r0, tail_rows)],
                shared_tab.at[pl.ds(r0, tail_rows)],
            )

        plsc.subcore_barrier()

        gathers = [fire_gather(0, shared_tab), fire_gather(1, shared_tab)]
        gathers += [None] * (n_chunks - 2)
        wbs = [None] * n_chunks
        for c in range(n_chunks):
            gathers[c].wait()
            if c + 2 < n_chunks:
                gathers[c + 2] = fire_gather(c + 2, shared_tab)
            if c - 2 >= 0:
                wbs[c - 2].wait()
            wbs[c] = fire_wb(c)
        for c in range(max(n_chunks - 2, 0), n_chunks):
            wbs[c].wait()

    return _gather(idx_flat, normed)

# --- scband reference (transcript-rebuilt; emitter-appended) ---
"""Pipeline reference for scband-task-embedding-62105227100171 (READ-ONLY COPY).

The authoritative reference and input builder live on the scoring server;
editing this copy changes nothing except your own understanding.
"""

import jax, jax.numpy as jnp
import numpy as np

NUM_TASKS = 1000
EMBED_DIM = 128
BATCH = 16384
EPS = 1e-5


def setup_inputs(seed: int = 0) -> dict:
    key = jax.random.key(seed)
    k1, k2 = jax.random.split(key)
    task_id = jax.random.randint(k1, (BATCH,), 0, NUM_TASKS, dtype=jnp.int64 if jax.config.jax_enable_x64 else jnp.int32)
    table = jax.random.normal(k2, (NUM_TASKS, EMBED_DIM), dtype=jnp.float32)
    gamma = jnp.ones((EMBED_DIM,), dtype=jnp.float32)
    beta = jnp.zeros((EMBED_DIM,), dtype=jnp.float32)
    return {"task_id": task_id, "batch_size": BATCH, "table": table, "gamma": gamma, "beta": beta}


def reference(task_id, batch_size, table, gamma, beta):
    # nn.Embedding: gather rows from table
    emb = jnp.take(table, task_id, axis=0)
    # nn.LayerNorm over last dim (elementwise affine)
    mean = jnp.mean(emb, axis=-1, keepdims=True)
    var = jnp.var(emb, axis=-1, keepdims=True)
    normed = (emb - mean) / jnp.sqrt(var + EPS)
    out = normed * gamma + beta
    return out

if __name__ == "__main__":
    import jax
    _d = setup_inputs()
    print(jax.jit(kernel)(*tuple(_d.values())))

</pallas_src>

<mosaic_0001>
#map = affine_map<(d0, d1) -> (0)>
#map1 = affine_map<(d0, d1) -> (0, 0)>
module attributes {stable_mosaic.version = 14 : i64} {
  func.func @_gather(%arg0: i32, %arg1: i32, %arg2: memref<16384xi32, #tpu.memory_space<hbm>>, %arg3: memref<1000x128xf32, #tpu.memory_space<hbm>>, %arg4: memref<16384x128xf32, #tpu.memory_space<hbm>>, %arg5: memref<512xi32, #tpu.memory_space<vmem>>, %arg6: memref<512x128xf32, #tpu.memory_space<vmem>>, %arg7: memref<1000x128xf32, #tpu.memory_space<vmem_shared>>, %arg8: memref<!tpu.dma_semaphore, #tpu.memory_space<semaphore_mem>>, %arg9: memref<!tpu.dma_semaphore, #tpu.memory_space<semaphore_mem>>, %arg10: memref<!tpu.dma_semaphore, #tpu.memory_space<semaphore_mem>>, %arg11: memref<!tpu.dma_semaphore, #tpu.memory_space<semaphore_mem>>) attributes {dimension_semantics = [#tpu.dimension_semantics<core_parallel>, #tpu.dimension_semantics<subcore_parallel>], iteration_bounds = array<i64: 2, 16>, scalar_prefetch = 0 : i64, scratch_operands = 7 : i64, tpu.core_type = #tpu.core_type<sc_vector_subcore>, window_params = [{transform_indices = #map}, {transform_indices = #map1}, {transform_indices = #map1}]} {
    %mul3A = arith.constant 2 : i32
    %mul3A_0 = arith.muli %arg1, %mul3A : i32
    %add3A = arith.addi %mul3A_0, %arg0 : i32
    %mul3A_1 = arith.constant 512 : i32
    %mul3A_2 = arith.muli %add3A, %mul3A_1 : i32
    "tpu.region"() ({
      %run_scoped3A = tpu.sem_alloc : memref<!tpu.dma_semaphore, #tpu.memory_space<semaphore_mem>>
      %dma_start3A_197 = tpu.memref_slice %arg2[%mul3A_2] : memref<16384xi32, #tpu.memory_space<hbm>> -> memref<512xi32, #tpu.memory_space<hbm>>
      %dma_start3A_198 = tpu.memref_slice %arg2[%mul3A_2] : memref<16384xi32, #tpu.memory_space<hbm>> -> memref<512xi32, #tpu.memory_space<hbm>>
      tpu.enqueue_dma source(%dma_start3A_198 : memref<512xi32, #tpu.memory_space<hbm>>) target(%arg5 : memref<512xi32, #tpu.memory_space<vmem>>) target_semaphore(%run_scoped3A : memref<!tpu.dma_semaphore, #tpu.memory_space<semaphore_mem>>)
      %dma_wait3A_199 = tpu.memref_slice %arg2[%mul3A_2] : memref<16384xi32, #tpu.memory_space<hbm>> -> memref<512xi32, #tpu.memory_space<hbm>>
      %dma_wait3A_200 = tpu.memref_slice %arg2[%mul3A_2] : memref<16384xi32, #tpu.memory_space<hbm>> -> memref<512xi32, #tpu.memory_space<hbm>>
      tpu.wait_dma2 semaphore(%run_scoped3A : memref<!tpu.dma_semaphore, #tpu.memory_space<semaphore_mem>>) src(%dma_wait3A_200 : memref<512xi32, #tpu.memory_space<hbm>>) dst(%arg5 : memref<512xi32, #tpu.memory_space<vmem>>)
      tpu.yield
    }) : () -> ()
    %lt3A = arith.constant 15 : i32
    %lt3A_3 = arith.cmpi slt, %arg1, %lt3A : i32
    %convert_element_type3A = arith.extui %lt3A_3 : i1 to i32
    %cond3A = arith.constant 0 : i32
    %cond3A_4 = arith.cmpi ne, %convert_element_type3A, %cond3A : i32
    scf.if %cond3A_4 {
      %mul3A_197 = arith.constant 64 : i32
      %mul3A_198 = arith.muli %arg1, %mul3A_197 : i32
      "tpu.region"() ({
        %run_scoped3A = tpu.sem_alloc : memref<!tpu.dma_semaphore, #tpu.memory_space<semaphore_mem>>
        %dma_start3A_199 = arith.constant 0 : i32
        %dma_start3A_200 = tpu.memref_slice %arg7[%mul3A_198, %dma_start3A_199] : memref<1000x128xf32, #tpu.memory_space<vmem_shared>> -> memref<64x128xf32, #tpu.memory_space<vmem_shared>>
        %dma_start3A_201 = arith.constant 0 : i32
        %dma_start3A_202 = tpu.memref_slice %arg3[%mul3A_198, %dma_start3A_201] : memref<1000x128xf32, #tpu.memory_space<hbm>> -> memref<64x128xf32, #tpu.memory_space<hbm>>
        tpu.enqueue_dma source(%dma_start3A_202 : memref<64x128xf32, #tpu.memory_space<hbm>>) target(%dma_start3A_200 : memref<64x128xf32, #tpu.memory_space<vmem_shared>>) target_semaphore(%run_scoped3A : memref<!tpu.dma_semaphore, #tpu.memory_space<semaphore_mem>>)
        %dma_wait3A_203 = arith.constant 0 : i32
        %dma_wait3A_204 = tpu.memref_slice %arg7[%mul3A_198, %dma_wait3A_203] : memref<1000x128xf32, #tpu.memory_space<vmem_shared>> -> memref<64x128xf32, #tpu.memory_space<vmem_shared>>
        %dma_wait3A_205 = arith.constant 0 : i32
        %dma_wait3A_206 = tpu.memref_slice %arg3[%mul3A_198, %dma_wait3A_205] : memref<1000x128xf32, #tpu.memory_space<hbm>> -> memref<64x128xf32, #tpu.memory_space<hbm>>
        tpu.wait_dma2 semaphore(%run_scoped3A : memref<!tpu.dma_semaphore, #tpu.memory_space<semaphore_mem>>) src(%dma_wait3A_206 : memref<64x128xf32, #tpu.memory_space<hbm>>) dst(%dma_wait3A_204 : memref<64x128xf32, #tpu.memory_space<vmem_shared>>)
        tpu.yield
      }) : () -> ()
    } else {
    }
    %eq3A = arith.constant 15 : i32
    %eq3A_5 = arith.cmpi eq, %arg1, %eq3A : i32
    %convert_element_type3A_6 = arith.extui %eq3A_5 : i1 to i32
    %cond3A_7 = arith.constant 0 : i32
    %cond3A_8 = arith.cmpi ne, %convert_element_type3A_6, %cond3A_7 : i32
    scf.if %cond3A_8 {
      "tpu.region"() ({
        %run_scoped3A = tpu.sem_alloc : memref<!tpu.dma_semaphore, #tpu.memory_space<semaphore_mem>>
        %dma_start3A_197 = arith.constant 960 : i32
        %dma_start3A_198 = arith.constant 0 : i32
        %dma_start3A_199 = tpu.memref_slice %arg7[%dma_start3A_197, %dma_start3A_198] : memref<1000x128xf32, #tpu.memory_space<vmem_shared>> -> memref<40x128xf32, #tpu.memory_space<vmem_shared>>
        %dma_start3A_200 = arith.constant 960 : i32
        %dma_start3A_201 = arith.constant 0 : i32
        %dma_start3A_202 = tpu.memref_slice %arg3[%dma_start3A_200, %dma_start3A_201] : memref<1000x128xf32, #tpu.memory_space<hbm>> -> memref<40x128xf32, #tpu.memory_space<hbm>>
        tpu.enqueue_dma source(%dma_start3A_202 : memref<40x128xf32, #tpu.memory_space<hbm>>) target(%dma_start3A_199 : memref<40x128xf32, #tpu.memory_space<vmem_shared>>) target_semaphore(%run_scoped3A : memref<!tpu.dma_semaphore, #tpu.memory_space<semaphore_mem>>)
        %dma_wait3A_203 = arith.constant 960 : i32
        %dma_wait3A_204 = arith.constant 0 : i32
        %dma_wait3A_205 = tpu.memref_slice %arg7[%dma_wait3A_203, %dma_wait3A_204] : memref<1000x128xf32, #tpu.memory_space<vmem_shared>> -> memref<40x128xf32, #tpu.memory_space<vmem_shared>>
        %dma_wait3A_206 = arith.constant 960 : i32
        %dma_wait3A_207 = arith.constant 0 : i32
        %dma_wait3A_208 = tpu.memref_slice %arg3[%dma_wait3A_206, %dma_wait3A_207] : memref<1000x128xf32, #tpu.memory_space<hbm>> -> memref<40x128xf32, #tpu.memory_space<hbm>>
        tpu.wait_dma2 semaphore(%run_scoped3A : memref<!tpu.dma_semaphore, #tpu.memory_space<semaphore_mem>>) src(%dma_wait3A_208 : memref<40x128xf32, #tpu.memory_space<hbm>>) dst(%dma_wait3A_205 : memref<40x128xf32, #tpu.memory_space<vmem_shared>>)
        tpu.yield
      }) : () -> ()
    } else {
    }
    %barrier3A = arith.constant 0 : index
    tpu.barrier barrier_id(%barrier3A)
    %dma_start3A = arith.constant 0 : i32
    %dma_start3A_9 = arith.constant 0 : i32
    %dma_start3A_10 = tpu.memref_slice %arg6[%dma_start3A, %dma_start3A_9] : memref<512x128xf32, #tpu.memory_space<vmem>> -> memref<32x128xf32, #tpu.memory_space<vmem>>
    %dma_start3A_11 = arith.constant 0 : i32
    %dma_start3A_12 = tpu.memref_slice %arg5[%dma_start3A_11] : memref<512xi32, #tpu.memory_space<vmem>> -> memref<32xi32, #tpu.memory_space<vmem>>
    %dma_start3A_13 = arith.constant 0 : i32
    %dma_start3A_14 = arith.constant 0 : i32
    %dma_start3A_15 = tpu.memref_slice %arg7[%dma_start3A_13, %dma_start3A_14] : memref<1000x128xf32, #tpu.memory_space<vmem_shared>> -> memref<1000x128xf32, #tpu.memory_space<vmem_shared>>
    tpu.enqueue_indirect_dma source(%dma_start3A_15 : memref<1000x128xf32, #tpu.memory_space<vmem_shared>>) target(%dma_start3A_10 : memref<32x128xf32, #tpu.memory_space<vmem>>) offsets(%dma_start3A_12 : memref<32xi32, #tpu.memory_space<vmem>>) semaphore(%arg8 : memref<!tpu.dma_semaphore, #tpu.memory_space<semaphore_mem>>)
    %dma_start3A_16 = arith.constant 32 : i32
    %dma_start3A_17 = arith.constant 0 : i32
    %dma_start3A_18 = tpu.memref_slice %arg6[%dma_start3A_16, %dma_start3A_17] : memref<512x128xf32, #tpu.memory_space<vmem>> -> memref<96x128xf32, #tpu.memory_space<vmem>>
    %dma_start3A_19 = arith.constant 32 : i32
    %dma_start3A_20 = tpu.memref_slice %arg5[%dma_start3A_19] : memref<512xi32, #tpu.memory_space<vmem>> -> memref<96xi32, #tpu.memory_space<vmem>>
    %dma_start3A_21 = arith.constant 0 : i32
    %dma_start3A_22 = arith.constant 0 : i32
    %dma_start3A_23 = tpu.memref_slice %arg7[%dma_start3A_21, %dma_start3A_22] : memref<1000x128xf32, #tpu.memory_space<vmem_shared>> -> memref<1000x128xf32, #tpu.memory_space<vmem_shared>>
    tpu.enqueue_indirect_dma source(%dma_start3A_23 : memref<1000x128xf32, #tpu.memory_space<vmem_shared>>) target(%dma_start3A_18 : memref<96x128xf32, #tpu.memory_space<vmem>>) offsets(%dma_start3A_20 : memref<96xi32, #tpu.memory_space<vmem>>) semaphore(%arg9 : memref<!tpu.dma_semaphore, #tpu.memory_space<semaphore_mem>>)
    %dma_wait3A = arith.constant 0 : i32
    %dma_wait3A_24 = arith.constant 0 : i32
    %dma_wait3A_25 = tpu.memref_slice %arg6[%dma_wait3A, %dma_wait3A_24] : memref<512x128xf32, #tpu.memory_space<vmem>> -> memref<32x128xf32, #tpu.memory_space<vmem>>
    %dma_wait3A_26 = arith.constant 0 : i32
    %dma_wait3A_27 = tpu.memref_slice %arg5[%dma_wait3A_26] : memref<512xi32, #tpu.memory_space<vmem>> -> memref<32xi32, #tpu.memory_space<vmem>>
    %dma_wait3A_28 = arith.constant 0 : i32
    %dma_wait3A_29 = arith.constant 0 : i32
    %dma_wait3A_30 = tpu.memref_slice %arg7[%dma_wait3A_28, %dma_wait3A_29] : memref<1000x128xf32, #tpu.memory_space<vmem_shared>> -> memref<1000x128xf32, #tpu.memory_space<vmem_shared>>
    tpu.wait_indirect_dma semaphore(%arg8 : memref<!tpu.dma_semaphore, #tpu.memory_space<semaphore_mem>>) src(%dma_wait3A_30 : memref<1000x128xf32, #tpu.memory_space<vmem_shared>>) dst(%dma_wait3A_25 : memref<32x128xf32, #tpu.memory_space<vmem>>)
    %dma_start3A_31 = arith.constant 128 : i32
    %dma_start3A_32 = arith.constant 0 : i32
    %dma_start3A_33 = tpu.memref_slice %arg6[%dma_start3A_31, %dma_start3A_32] : memref<512x128xf32, #tpu.memory_space<vmem>> -> memref<128x128xf32, #tpu.memory_space<vmem>>
    %dma_start3A_34 = arith.constant 128 : i32
    %dma_start3A_35 = tpu.memref_slice %arg5[%dma_start3A_34] : memref<512xi32, #tpu.memory_space<vmem>> -> memref<128xi32, #tpu.memory_space<vmem>>
    %dma_start3A_36 = arith.constant 0 : i32
    %dma_start3A_37 = arith.constant 0 : i32
    %dma_start3A_38 = tpu.memref_slice %arg7[%dma_start3A_36, %dma_start3A_37] : memref<1000x128xf32, #tpu.memory_space<vmem_shared>> -> memref<1000x128xf32, #tpu.memory_space<vmem_shared>>
    tpu.enqueue_indirect_dma source(%dma_start3A_38 : memref<1000x128xf32, #tpu.memory_space<vmem_shared>>) target(%dma_start3A_33 : memref<128x128xf32, #tpu.memory_space<vmem>>) offsets(%dma_start3A_35 : memref<128xi32, #tpu.memory_space<vmem>>) semaphore(%arg8 : memref<!tpu.dma_semaphore, #tpu.memory_space<semaphore_mem>>)
    %add3A_39 = arith.constant 0 : i32
    %add3A_40 = arith.addi %mul3A_2, %add3A_39 : i32
    %dma_start3A_41 = arith.constant 0 : i32
    %dma_start3A_42 = arith.constant 0 : i32
    %dma_start3A_43 = tpu.memref_slice %arg6[%dma_start3A_41, %dma_start3A_42] : memref<512x128xf32, #tpu.memory_space<vmem>> -> memref<32x128xf32, #tpu.memory_space<vmem>>
    %dma_start3A_44 = arith.constant 0 : i32
    %dma_start3A_45 = tpu.memref_slice %arg4[%add3A_40, %dma_start3A_44] : memref<16384x128xf32, #tpu.memory_space<hbm>> -> memref<32x128xf32, #tpu.memory_space<hbm>>
    %dma_start3A_46 = arith.constant 0 : i32
    %dma_start3A_47 = tpu.memref_slice %arg4[%add3A_40, %dma_start3A_46] : memref<16384x128xf32, #tpu.memory_space<hbm>> -> memref<32x128xf32, #tpu.memory_space<hbm>>
    %dma_start3A_48 = arith.constant 0 : i32
    %dma_start3A_49 = arith.constant 0 : i32
    %dma_start3A_50 = tpu.memref_slice %arg6[%dma_start3A_48, %dma_start3A_49] : memref<512x128xf32, #tpu.memory_space<vmem>> -> memref<32x128xf32, #tpu.memory_space<vmem>>
    tpu.enqueue_dma source(%dma_start3A_50 : memref<32x128xf32, #tpu.memory_space<vmem>>) target(%dma_start3A_47 : memref<32x128xf32, #tpu.memory_space<hbm>>) target_semaphore(%arg10 : memref<!tpu.dma_semaphore, #tpu.memory_space<semaphore_mem>>)
    %dma_wait3A_51 = arith.constant 32 : i32
    %dma_wait3A_52 = arith.constant 0 : i32
    %dma_wait3A_53 = tpu.memref_slice %arg6[%dma_wait3A_51, %dma_wait3A_52] : memref<512x128xf32, #tpu.memory_space<vmem>> -> memref<96x128xf32, #tpu.memory_space<vmem>>
    %dma_wait3A_54 = arith.constant 32 : i32
    %dma_wait3A_55 = tpu.memref_slice %arg5[%dma_wait3A_54] : memref<512xi32, #tpu.memory_space<vmem>> -> memref<96xi32, #tpu.memory_space<vmem>>
    %dma_wait3A_56 = arith.constant 0 : i32
    %dma_wait3A_57 = arith.constant 0 : i32
    %dma_wait3A_58 = tpu.memref_slice %arg7[%dma_wait3A_56, %dma_wait3A_57] : memref<1000x128xf32, #tpu.memory_space<vmem_shared>> -> memref<1000x128xf32, #tpu.memory_space<vmem_shared>>
    tpu.wait_indirect_dma semaphore(%arg9 : memref<!tpu.dma_semaphore, #tpu.memory_space<semaphore_mem>>) src(%dma_wait3A_58 : memref<1000x128xf32, #tpu.memory_space<vmem_shared>>) dst(%dma_wait3A_53 : memref<96x128xf32, #tpu.memory_space<vmem>>)
    %dma_start3A_59 = arith.constant 256 : i32
    %dma_start3A_60 = arith.constant 0 : i32
    %dma_start3A_61 = tpu.memref_slice %arg6[%dma_start3A_59, %dma_start3A_60] : memref<512x128xf32, #tpu.memory_space<vmem>> -> memref<128x128xf32, #tpu.memory_space<vmem>>
    %dma_start3A_62 = arith.constant 256 : i32
    %dma_start3A_63 = tpu.memref_slice %arg5[%dma_start3A_62] : memref<512xi32, #tpu.memory_space<vmem>> -> memref<128xi32, #tpu.memory_space<vmem>>
    %dma_start3A_64 = arith.constant 0 : i32
    %dma_start3A_65 = arith.constant 0 : i32
    %dma_start3A_66 = tpu.memref_slice %arg7[%dma_start3A_64, %dma_start3A_65] : memref<1000x128xf32, #tpu.memory_space<vmem_shared>> -> memref<1000x128xf32, #tpu.memory_space<vmem_shared>>
    tpu.enqueue_indirect_dma source(%dma_start3A_66 : memref<1000x128xf32, #tpu.memory_space<vmem_shared>>) target(%dma_start3A_61 : memref<128x128xf32, #tpu.memory_space<vmem>>) offsets(%dma_start3A_63 : memref<128xi32, #tpu.memory_space<vmem>>) semaphore(%arg9 : memref<!tpu.dma_semaphore, #tpu.memory_space<semaphore_mem>>)
    %add3A_67 = arith.constant 32 : i32
    %add3A_68 = arith.addi %mul3A_2, %add3A_67 : i32
    %dma_start3A_69 = arith.constant 32 : i32
    %dma_start3A_70 = arith.constant 0 : i32
    %dma_start3A_71 = tpu.memref_slice %arg6[%dma_start3A_69, %dma_start3A_70] : memref<512x128xf32, #tpu.memory_space<vmem>> -> memref<96x128xf32, #tpu.memory_space<vmem>>
    %dma_start3A_72 = arith.constant 0 : i32
    %dma_start3A_73 = tpu.memref_slice %arg4[%add3A_68, %dma_start3A_72] : memref<16384x128xf32, #tpu.memory_space<hbm>> -> memref<96x128xf32, #tpu.memory_space<hbm>>
    %dma_start3A_74 = arith.constant 0 : i32
    %dma_start3A_75 = tpu.memref_slice %arg4[%add3A_68, %dma_start3A_74] : memref<16384x128xf32, #tpu.memory_space<hbm>> -> memref<96x128xf32, #tpu.memory_space<hbm>>
    %dma_start3A_76 = arith.constant 32 : i32
    %dma_start3A_77 = arith.constant 0 : i32
    %dma_start3A_78 = tpu.memref_slice %arg6[%dma_start3A_76, %dma_start3A_77] : memref<512x128xf32, #tpu.memory_space<vmem>> -> memref<96x128xf32, #tpu.memory_space<vmem>>
    tpu.enqueue_dma source(%dma_start3A_78 : memref<96x128xf32, #tpu.memory_space<vmem>>) target(%dma_start3A_75 : memref<96x128xf32, #tpu.memory_space<hbm>>) target_semaphore(%arg11 : memref<!tpu.dma_semaphore, #tpu.memory_space<semaphore_mem>>)
    %dma_wait3A_79 = arith.constant 128 : i32
    %dma_wait3A_80 = arith.constant 0 : i32
    %dma_wait3A_81 = tpu.memref_slice %arg6[%dma_wait3A_79, %dma_wait3A_80] : memref<512x128xf32, #tpu.memory_space<vmem>> -> memref<128x128xf32, #tpu.memory_space<vmem>>
    %dma_wait3A_82 = arith.constant 128 : i32
    %dma_wait3A_83 = tpu.memref_slice %arg5[%dma_wait3A_82] : memref<512xi32, #tpu.memory_space<vmem>> -> memref<128xi32, #tpu.memory_space<vmem>>
    %dma_wait3A_84 = arith.constant 0 : i32
    %dma_wait3A_85 = arith.constant 0 : i32
    %dma_wait3A_86 = tpu.memref_slice %arg7[%dma_wait3A_84, %dma_wait3A_85] : memref<1000x128xf32, #tpu.memory_space<vmem_shared>> -> memref<1000x128xf32, #tpu.memory_space<vmem_shared>>
    tpu.wait_indirect_dma semaphore(%arg8 : memref<!tpu.dma_semaphore, #tpu.memory_space<semaphore_mem>>) src(%dma_wait3A_86 : memref<1000x128xf32, #tpu.memory_space<vmem_shared>>) dst(%dma_wait3A_81 : memref<128x128xf32, #tpu.memory_space<vmem>>)
    %dma_start3A_87 = arith.constant 384 : i32
    %dma_start3A_88 = arith.constant 0 : i32
    %dma_start3A_89 = tpu.memref_slice %arg6[%dma_start3A_87, %dma_start3A_88] : memref<512x128xf32, #tpu.memory_space<vmem>> -> memref<128x128xf32, #tpu.memory_space<vmem>>
    %dma_start3A_90 = arith.constant 384 : i32
    %dma_start3A_91 = tpu.memref_slice %arg5[%dma_start3A_90] : memref<512xi32, #tpu.memory_space<vmem>> -> memref<128xi32, #tpu.memory_space<vmem>>
    %dma_start3A_92 = arith.constant 0 : i32
    %dma_start3A_93 = arith.constant 0 : i32
    %dma_start3A_94 = tpu.memref_slice %arg7[%dma_start3A_92, %dma_start3A_93] : memref<1000x128xf32, #tpu.memory_space<vmem_shared>> -> memref<1000x128xf32, #tpu.memory_space<vmem_shared>>
    tpu.enqueue_indirect_dma source(%dma_start3A_94 : memref<1000x128xf32, #tpu.memory_space<vmem_shared>>) target(%dma_start3A_89 : memref<128x128xf32, #tpu.memory_space<vmem>>) offsets(%dma_start3A_91 : memref<128xi32, #tpu.memory_space<vmem>>) semaphore(%arg8 : memref<!tpu.dma_semaphore, #tpu.memory_space<semaphore_mem>>)
    %dma_wait3A_95 = arith.constant 0 : i32
    %dma_wait3A_96 = arith.constant 0 : i32
    %dma_wait3A_97 = tpu.memref_slice %arg6[%dma_wait3A_95, %dma_wait3A_96] : memref<512x128xf32, #tpu.memory_space<vmem>> -> memref<32x128xf32, #tpu.memory_space<vmem>>
    %dma_wait3A_98 = arith.constant 0 : i32
    %dma_wait3A_99 = tpu.memref_slice %arg4[%add3A_40, %dma_wait3A_98] : memref<16384x128xf32, #tpu.memory_space<hbm>> -> memref<32x128xf32, #tpu.memory_space<hbm>>
    %dma_wait3A_100 = arith.constant 0 : i32
    %dma_wait3A_101 = tpu.memref_slice %arg4[%add3A_40, %dma_wait3A_100] : memref<16384x128xf32, #tpu.memory_space<hbm>> -> memref<32x128xf32, #tpu.memory_space<hbm>>
    %dma_wait3A_102 = arith.constant 0 : i32
    %dma_wait3A_103 = arith.constant 0 : i32
    %dma_wait3A_104 = tpu.memref_slice %arg6[%dma_wait3A_102, %dma_wait3A_103] : memref<512x128xf32, #tpu.memory_space<vmem>> -> memref<32x128xf32, #tpu.memory_space<vmem>>
    tpu.wait_dma2 semaphore(%arg10 : memref<!tpu.dma_semaphore, #tpu.memory_space<semaphore_mem>>) src(%dma_wait3A_104 : memref<32x128xf32, #tpu.memory_space<vmem>>) dst(%dma_wait3A_101 : memref<32x128xf32, #tpu.memory_space<hbm>>)
    %add3A_105 = arith.constant 128 : i32
    %add3A_106 = arith.addi %mul3A_2, %add3A_105 : i32
    %dma_start3A_107 = arith.constant 128 : i32
    %dma_start3A_108 = arith.constant 0 : i32
    %dma_start3A_109 = tpu.memref_slice %arg6[%dma_start3A_107, %dma_start3A_108] : memref<512x128xf32, #tpu.memory_space<vmem>> -> memref<128x128xf32, #tpu.memory_space<vmem>>
    %dma_start3A_110 = arith.constant 0 : i32
    %dma_start3A_111 = tpu.memref_slice %arg4[%add3A_106, %dma_start3A_110] : memref<16384x128xf32, #tpu.memory_space<hbm>> -> memref<128x128xf32, #tpu.memory_space<hbm>>
    %dma_start3A_112 = arith.constant 0 : i32
    %dma_start3A_113 = tpu.memref_slice %arg4[%add3A_106, %dma_start3A_112] : memref<16384x128xf32, #tpu.memory_space<hbm>> -> memref<128x128xf32, #tpu.memory_space<hbm>>
    %dma_start3A_114 = arith.constant 128 : i32
    %dma_start3A_115 = arith.constant 0 : i32
    %dma_start3A_116 = tpu.memref_slice %arg6[%dma_start3A_114, %dma_start3A_115] : memref<512x128xf32, #tpu.memory_space<vmem>> -> memref<128x128xf32, #tpu.memory_space<vmem>>
    tpu.enqueue_dma source(%dma_start3A_116 : memref<128x128xf32, #tpu.memory_space<vmem>>) target(%dma_start3A_113 : memref<128x128xf32, #tpu.memory_space<hbm>>) target_semaphore(%arg10 : memref<!tpu.dma_semaphore, #tpu.memory_space<semaphore_mem>>)
    %dma_wait3A_117 = arith.constant 256 : i32
    %dma_wait3A_118 = arith.constant 0 : i32
    %dma_wait3A_119 = tpu.memref_slice %arg6[%dma_wait3A_117, %dma_wait3A_118] : memref<512x128xf32, #tpu.memory_space<vmem>> -> memref<128x128xf32, #tpu.memory_space<vmem>>
    %dma_wait3A_120 = arith.constant 256 : i32
    %dma_wait3A_121 = tpu.memref_slice %arg5[%dma_wait3A_120] : memref<512xi32, #tpu.memory_space<vmem>> -> memref<128xi32, #tpu.memory_space<vmem>>
    %dma_wait3A_122 = arith.constant 0 : i32
    %dma_wait3A_123 = arith.constant 0 : i32
    %dma_wait3A_124 = tpu.memref_slice %arg7[%dma_wait3A_122, %dma_wait3A_123] : memref<1000x128xf32, #tpu.memory_space<vmem_shared>> -> memref<1000x128xf32, #tpu.memory_space<vmem_shared>>
    tpu.wait_indirect_dma semaphore(%arg9 : memref<!tpu.dma_semaphore, #tpu.memory_space<semaphore_mem>>) src(%dma_wait3A_124 : memref<1000x128xf32, #tpu.memory_space<vmem_shared>>) dst(%dma_wait3A_119 : memref<128x128xf32, #tpu.memory_space<vmem>>)
    %dma_wait3A_125 = arith.constant 32 : i32
    %dma_wait3A_126 = arith.constant 0 : i32
    %dma_wait3A_127 = tpu.memref_slice %arg6[%dma_wait3A_125, %dma_wait3A_126] : memref<512x128xf32, #tpu.memory_space<vmem>> -> memref<96x128xf32, #tpu.memory_space<vmem>>
    %dma_wait3A_128 = arith.constant 0 : i32
    %dma_wait3A_129 = tpu.memref_slice %arg4[%add3A_68, %dma_wait3A_128] : memref<16384x128xf32, #tpu.memory_space<hbm>> -> memref<96x128xf32, #tpu.memory_space<hbm>>
    %dma_wait3A_130 = arith.constant 0 : i32
    %dma_wait3A_131 = tpu.memref_slice %arg4[%add3A_68, %dma_wait3A_130] : memref<16384x128xf32, #tpu.memory_space<hbm>> -> memref<96x128xf32, #tpu.memory_space<hbm>>
    %dma_wait3A_132 = arith.constant 32 : i32
    %dma_wait3A_133 = arith.constant 0 : i32
    %dma_wait3A_134 = tpu.memref_slice %arg6[%dma_wait3A_132, %dma_wait3A_133] : memref<512x128xf32, #tpu.memory_space<vmem>> -> memref<96x128xf32, #tpu.memory_space<vmem>>
    tpu.wait_dma2 semaphore(%arg11 : memref<!tpu.dma_semaphore, #tpu.memory_space<semaphore_mem>>) src(%dma_wait3A_134 : memref<96x128xf32, #tpu.memory_space<vmem>>) dst(%dma_wait3A_131 : memref<96x128xf32, #tpu.memory_space<hbm>>)
    %add3A_135 = arith.constant 256 : i32
    %add3A_136 = arith.addi %mul3A_2, %add3A_135 : i32
    %dma_start3A_137 = arith.constant 256 : i32
    %dma_start3A_138 = arith.constant 0 : i32
    %dma_start3A_139 = tpu.memref_slice %arg6[%dma_start3A_137, %dma_start3A_138] : memref<512x128xf32, #tpu.memory_space<vmem>> -> memref<128x128xf32, #tpu.memory_space<vmem>>
    %dma_start3A_140 = arith.constant 0 : i32
    %dma_start3A_141 = tpu.memref_slice %arg4[%add3A_136, %dma_start3A_140] : memref<16384x128xf32, #tpu.memory_space<hbm>> -> memref<128x128xf32, #tpu.memory_space<hbm>>
    %dma_start3A_142 = arith.constant 0 : i32
    %dma_start3A_143 = tpu.memref_slice %arg4[%add3A_136, %dma_start3A_142] : memref<16384x128xf32, #tpu.memory_space<hbm>> -> memref<128x128xf32, #tpu.memory_space<hbm>>
    %dma_start3A_144 = arith.constant 256 : i32
    %dma_start3A_145 = arith.constant 0 : i32
    %dma_start3A_146 = tpu.memref_slice %arg6[%dma_start3A_144, %dma_start3A_145] : memref<512x128xf32, #tpu.memory_space<vmem>> -> memref<128x128xf32, #tpu.memory_space<vmem>>
    tpu.enqueue_dma source(%dma_start3A_146 : memref<128x128xf32, #tpu.memory_space<vmem>>) target(%dma_start3A_143 : memref<128x128xf32, #tpu.memory_space<hbm>>) target_semaphore(%arg11 : memref<!tpu.dma_semaphore, #tpu.memory_space<semaphore_mem>>)
    %dma_wait3A_147 = arith.constant 384 : i32
    %dma_wait3A_148 = arith.constant 0 : i32
    %dma_wait3A_149 = tpu.memref_slice %arg6[%dma_wait3A_147, %dma_wait3A_148] : memref<512x128xf32, #tpu.memory_space<vmem>> -> memref<128x128xf32, #tpu.memory_space<vmem>>
    %dma_wait3A_150 = arith.constant 384 : i32
    %dma_wait3A_151 = tpu.memref_slice %arg5[%dma_wait3A_150] : memref<512xi32, #tpu.memory_space<vmem>> -> memref<128xi32, #tpu.memory_space<vmem>>
    %dma_wait3A_152 = arith.constant 0 : i32
    %dma_wait3A_153 = arith.constant 0 : i32
    %dma_wait3A_154 = tpu.memref_slice %arg7[%dma_wait3A_152, %dma_wait3A_153] : memref<1000x128xf32, #tpu.memory_space<vmem_shared>> -> memref<1000x128xf32, #tpu.memory_space<vmem_shared>>
    tpu.wait_indirect_dma semaphore(%arg8 : memref<!tpu.dma_semaphore, #tpu.memory_space<semaphore_mem>>) src(%dma_wait3A_154 : memref<1000x128xf32, #tpu.memory_space<vmem_shared>>) dst(%dma_wait3A_149 : memref<128x128xf32, #tpu.memory_space<vmem>>)
    %dma_wait3A_155 = arith.constant 128 : i32
    %dma_wait3A_156 = arith.constant 0 : i32
    %dma_wait3A_157 = tpu.memref_slice %arg6[%dma_wait3A_155, %dma_wait3A_156] : memref<512x128xf32, #tpu.memory_space<vmem>> -> memref<128x128xf32, #tpu.memory_space<vmem>>
    %dma_wait3A_158 = arith.constant 0 : i32
    %dma_wait3A_159 = tpu.memref_slice %arg4[%add3A_106, %dma_wait3A_158] : memref<16384x128xf32, #tpu.memory_space<hbm>> -> memref<128x128xf32, #tpu.memory_space<hbm>>
    %dma_wait3A_160 = arith.constant 0 : i32
    %dma_wait3A_161 = tpu.memref_slice %arg4[%add3A_106, %dma_wait3A_160] : memref<16384x128xf32, #tpu.memory_space<hbm>> -> memref<128x128xf32, #tpu.memory_space<hbm>>
    %dma_wait3A_162 = arith.constant 128 : i32
    %dma_wait3A_163 = arith.constant 0 : i32
    %dma_wait3A_164 = tpu.memref_slice %arg6[%dma_wait3A_162, %dma_wait3A_163] : memref<512x128xf32, #tpu.memory_space<vmem>> -> memref<128x128xf32, #tpu.memory_space<vmem>>
    tpu.wait_dma2 semaphore(%arg10 : memref<!tpu.dma_semaphore, #tpu.memory_space<semaphore_mem>>) src(%dma_wait3A_164 : memref<128x128xf32, #tpu.memory_space<vmem>>) dst(%dma_wait3A_161 : memref<128x128xf32, #tpu.memory_space<hbm>>)
    %add3A_165 = arith.constant 384 : i32
    %add3A_166 = arith.addi %mul3A_2, %add3A_165 : i32
    %dma_start3A_167 = arith.constant 384 : i32
    %dma_start3A_168 = arith.constant 0 : i32
    %dma_start3A_169 = tpu.memref_slice %arg6[%dma_start3A_167, %dma_start3A_168] : memref<512x128xf32, #tpu.memory_space<vmem>> -> memref<128x128xf32, #tpu.memory_space<vmem>>
    %dma_start3A_170 = arith.constant 0 : i32
    %dma_start3A_171 = tpu.memref_slice %arg4[%add3A_166, %dma_start3A_170] : memref<16384x128xf32, #tpu.memory_space<hbm>> -> memref<128x128xf32, #tpu.memory_space<hbm>>
    %dma_start3A_172 = arith.constant 0 : i32
    %dma_start3A_173 = tpu.memref_slice %arg4[%add3A_166, %dma_start3A_172] : memref<16384x128xf32, #tpu.memory_space<hbm>> -> memref<128x128xf32, #tpu.memory_space<hbm>>
    %dma_start3A_174 = arith.constant 384 : i32
    %dma_start3A_175 = arith.constant 0 : i32
    %dma_start3A_176 = tpu.memref_slice %arg6[%dma_start3A_174, %dma_start3A_175] : memref<512x128xf32, #tpu.memory_space<vmem>> -> memref<128x128xf32, #tpu.memory_space<vmem>>
    tpu.enqueue_dma source(%dma_start3A_176 : memref<128x128xf32, #tpu.memory_space<vmem>>) target(%dma_start3A_173 : memref<128x128xf32, #tpu.memory_space<hbm>>) target_semaphore(%arg10 : memref<!tpu.dma_semaphore, #tpu.memory_space<semaphore_mem>>)
    %dma_wait3A_177 = arith.constant 256 : i32
    %dma_wait3A_178 = arith.constant 0 : i32
    %dma_wait3A_179 = tpu.memref_slice %arg6[%dma_wait3A_177, %dma_wait3A_178] : memref<512x128xf32, #tpu.memory_space<vmem>> -> memref<128x128xf32, #tpu.memory_space<vmem>>
    %dma_wait3A_180 = arith.constant 0 : i32
    %dma_wait3A_181 = tpu.memref_slice %arg4[%add3A_136, %dma_wait3A_180] : memref<16384x128xf32, #tpu.memory_space<hbm>> -> memref<128x128xf32, #tpu.memory_space<hbm>>
    %dma_wait3A_182 = arith.constant 0 : i32
    %dma_wait3A_183 = tpu.memref_slice %arg4[%add3A_136, %dma_wait3A_182] : memref<16384x128xf32, #tpu.memory_space<hbm>> -> memref<128x128xf32, #tpu.memory_space<hbm>>
    %dma_wait3A_184 = arith.constant 256 : i32
    %dma_wait3A_185 = arith.constant 0 : i32
    %dma_wait3A_186 = tpu.memref_slice %arg6[%dma_wait3A_184, %dma_wait3A_185] : memref<512x128xf32, #tpu.memory_space<vmem>> -> memref<128x128xf32, #tpu.memory_space<vmem>>
    tpu.wait_dma2 semaphore(%arg11 : memref<!tpu.dma_semaphore, #tpu.memory_space<semaphore_mem>>) src(%dma_wait3A_186 : memref<128x128xf32, #tpu.memory_space<vmem>>) dst(%dma_wait3A_183 : memref<128x128xf32, #tpu.memory_space<hbm>>)
    %dma_wait3A_187 = arith.constant 384 : i32
    %dma_wait3A_188 = arith.constant 0 : i32
    %dma_wait3A_189 = tpu.memref_slice %arg6[%dma_wait3A_187, %dma_wait3A_188] : memref<512x128xf32, #tpu.memory_space<vmem>> -> memref<128x128xf32, #tpu.memory_space<vmem>>
    %dma_wait3A_190 = arith.constant 0 : i32
    %dma_wait3A_191 = tpu.memref_slice %arg4[%add3A_166, %dma_wait3A_190] : memref<16384x128xf32, #tpu.memory_space<hbm>> -> memref<128x128xf32, #tpu.memory_space<hbm>>
    %dma_wait3A_192 = arith.constant 0 : i32
    %dma_wait3A_193 = tpu.memref_slice %arg4[%add3A_166, %dma_wait3A_192] : memref<16384x128xf32, #tpu.memory_space<hbm>> -> memref<128x128xf32, #tpu.memory_space<hbm>>
    %dma_wait3A_194 = arith.constant 384 : i32
    %dma_wait3A_195 = arith.constant 0 : i32
    %dma_wait3A_196 = tpu.memref_slice %arg6[%dma_wait3A_194, %dma_wait3A_195] : memref<512x128xf32, #tpu.memory_space<vmem>> -> memref<128x128xf32, #tpu.memory_space<vmem>>
    tpu.wait_dma2 semaphore(%arg10 : memref<!tpu.dma_semaphore, #tpu.memory_space<semaphore_mem>>) src(%dma_wait3A_196 : memref<128x128xf32, #tpu.memory_space<vmem>>) dst(%dma_wait3A_193 : memref<128x128xf32, #tpu.memory_space<hbm>>)
    return
  }
}

module attributes {stable_mosaic.version = 14 : i64} {
  func.func @_ln_table(%arg0: memref<1000x128xf32, #tpu.memory_space<vmem>>, %arg1: memref<1x128xf32, #tpu.memory_space<vmem>>, %arg2: memref<1x128xf32, #tpu.memory_space<vmem>>, %arg3: memref<1000x128xf32, #tpu.memory_space<vmem>>) attributes {dimension_semantics = [], scalar_prefetch = 0 : i64, scratch_operands = 0 : i64, tpu.core_type = #tpu.core_type<tc>} {
    %get3A = arith.constant 0 : index
    %get3A_0 = arith.constant 0 : index
    %get3A_1 = vector.load %arg0[%get3A, %get3A_0] : memref<1000x128xf32, #tpu.memory_space<vmem>>, vector<1000x128xf32>
    %reduce_sum3A = arith.constant dense<0.000000e+00> : vector<1000xf32>
    %reduce_sum3A_2 = vector.multi_reduction <add>, %get3A_1, %reduce_sum3A [1] : vector<1000x128xf32> to vector<1000xf32>
    %broadcast_in_dim3A = vector.shape_cast %reduce_sum3A_2 : vector<1000xf32> to vector<1000x1xf32>
    %div3A = arith.constant 1.280000e+02 : f32
    %div3A_3 = vector.broadcast %div3A : f32 to vector<1000x1xf32>
    %div3A_4 = arith.divf %broadcast_in_dim3A, %div3A_3 : vector<1000x1xf32>
    %sub3A = vector.broadcast %div3A_4 : vector<1000x1xf32> to vector<1000x128xf32>
    %sub3A_5 = arith.subf %get3A_1, %sub3A : vector<1000x128xf32>
    %mul3A = arith.mulf %sub3A_5, %sub3A_5 : vector<1000x128xf32>
    %reduce_sum3A_6 = arith.constant dense<0.000000e+00> : vector<1000xf32>
    %reduce_sum3A_7 = vector.multi_reduction <add>, %mul3A, %reduce_sum3A_6 [1] : vector<1000x128xf32> to vector<1000xf32>
    %broadcast_in_dim3A_8 = vector.shape_cast %reduce_sum3A_7 : vector<1000xf32> to vector<1000x1xf32>
    %div3A_9 = arith.constant 1.280000e+02 : f32
    %div3A_10 = vector.broadcast %div3A_9 : f32 to vector<1000x1xf32>
    %div3A_11 = arith.divf %broadcast_in_dim3A_8, %div3A_10 : vector<1000x1xf32>
    %add3A = arith.constant 9.99999974E-6 : f32
    %add3A_12 = vector.broadcast %add3A : f32 to vector<1000x1xf32>
    %add3A_13 = arith.addf %div3A_11, %add3A_12 : vector<1000x1xf32>
    %rsqrt3A = math.rsqrt %add3A_13 : vector<1000x1xf32>
    %mul3A_14 = vector.broadcast %rsqrt3A : vector<1000x1xf32> to vector<1000x128xf32>
    %mul3A_15 = arith.mulf %sub3A_5, %mul3A_14 : vector<1000x128xf32>
    %get3A_16 = arith.constant 0 : index
    %get3A_17 = arith.constant 0 : index
    %get3A_18 = vector.load %arg1[%get3A_16, %get3A_17] : memref<1x128xf32, #tpu.memory_space<vmem>>, vector<1x128xf32>
    %mul3A_19 = vector.broadcast %get3A_18 : vector<1x128xf32> to vector<1000x128xf32>
    %mul3A_20 = arith.mulf %mul3A_15, %mul3A_19 : vector<1000x128xf32>
    %get3A_21 = arith.constant 0 : index
    %get3A_22 = arith.constant 0 : index
    %get3A_23 = vector.load %arg2[%get3A_21, %get3A_22] : memref<1x128xf32, #tpu.memory_space<vmem>>, vector<1x128xf32>
    %add3A_24 = vector.broadcast %get3A_23 : vector<1x128xf32> to vector<1000x128xf32>
    %add3A_25 = arith.addf %mul3A_20, %add3A_24 : vector<1000x128xf32>
    %swap3A = arith.constant 0 : index
    %swap3A_26 = arith.constant 0 : index
    %swap3A_27 = vector.load %arg3[%swap3A, %swap3A_26] : memref<1000x128xf32, #tpu.memory_space<vmem>>, vector<1000x128xf32>
    tpu.vector_store %arg3[%swap3A, %swap3A_26], %add3A_25 {strides = array<i32>} : memref<1000x128xf32, #tpu.memory_space<vmem>>, vector<1000x128xf32>,
    return
  }
}

</mosaic_0001>

<sc_bundles>
// kernel: kernel.4.cloned.1.call-start
scs
__scs_entry_jumppad:
0x0: {  	(pc) =	sbr.rel $0x88, $3  }
0x1: {  	(tag) =	ssettag $0x0;
	lr =	simm.s32 $0x1  }
0x2: {  	[smem:$0x3F9D] =	sst lr;
	_ =	strace $0xD0000000  }
0x3: {  	_ = 	snop  }
0x4: {  	_ = 	snop  }
0x5: {  	_ = 	snop  }
0x6: {  	_ = 	snop  }
0x7: {  	_ = 	snop  }
__scs_overlays_trampoline_lowered:
0x8: {  	[smem:$0x3FAC] =	sst s0  }
0x9: {  	[smem:$0x3FAD] =	sst s1  }
0xa: {  	[smem:$0x3FAE] =	sst s2  }
0xb: {  	[smem:$0x3FAF] =	sst s3  }
0xc: {  	[smem:$0x3FB0] =	sst s4  }
0xd: {  	[smem:$0x3FB1] =	sst s5  }
0xe: {  	[smem:$0x3FB2] =	sst s6  }
0xf: {  	[smem:$0x3FB3] =	sst s7  }
0x10: {  	[smem:$0x3FB4] =	sst s8  }
0x11: {  	[smem:$0x3FB5] =	sst s9;
	s0 =	simm.s32 @!p0 $0x0  }
0x12: {  	s1 =	sld [smem:$0x3F9B];
	s0 =	simm.s32 @p0 $0x1  }
0x13: {  	[smem:$0x3FB6] =	sst s0;
	s0 =	simm.s32 @!p1 $0x0  }
0x14: {  	s2 =	sld [smem:$0x3F9A];
	s0 =	simm.s32 @p1 $0x1  }
0x15: {  	[smem:$0x3FB7] =	sst s0;
	s0 =	simm.s32 @!p2 $0x0  }
0x16: {  	s3 =	sld [smem:$0x3FDB];
	s0 =	simm.s32 @p2 $0x1  }
0x17: {  	s4 =	simm.s32 $0x1BF5;
	[smem:$0x3FB9] =	sst s0  }
0x18: {  	s0 =	sld [smem:$0x3F9C];
	_ =	swait.ge [sflag:s4], $0x0  }
0x19: {  	s7 =	sld [smem:$0x3F9D]  }
0x1a: {  	s8 =	sadd.s32 $0xFFFFE003, lr  }
0x1b: {  	s9 =	sadd.s32 $0xFFFFFEF7, lr;
	s5 =	simm.s32 $0xFFFFFFFF;
	p2 =	slt.u32 s8, $0xFFFFF086  }
0x1c: {  	p1 =	slt.u32 s9, $0xF7A;
	s5 =	simm.s32 @!p2 $0x0  }
0x1d: {  	s5 =	simm.s32 @p1 $0x1;
	p0 =	seq.s32 s7, s2  }
0x1e: {  	s7 =	smul.u32 @!p0 $0xF7A, s2;
	p2 =	seq.s32 @!p0 s5, $0x0  }
0x1f: {  	s9 =	smul.u32 $0xF7A, s1;
	s8 =	simm.s32 @!p0 $0x1BF5;
	p2 =	por !p2, p0  }
0x20: {  	[sflag:s8] =	ssyncset.s32 @!p0 $0xFFFFF086;
	s6 =	sadd.s32 @!p0 s3, s7;
	s7 =	simm.s32 @!p0 $0x108  }
0x21: {  	s3 =	sadd.s32 s3, s9;
	s6 =	sadd.s32 @!p0 $0x88, s6;
	s7 =	simm.s32 @p2 $0x1082  }
0x22: {  	[simem:s7], [sflag:s8] =	dma.local @!p0 [hbm:s6], $0xF7A  }
0x23: {  	s9 =	sor.u32 $0xD0000000, s2;
	s6 =	simm.s32 $0x108;
	_ =	swait.ge @!p0 [sflag:s8], $0x0  }
0x24: {  	s3 =	sadd.s32 $0x88, s3;
	s6 =	simm.s32 @!p1 $0x1082;
	[sflag:s4] =	ssyncset.s32 $0xFFFFF086  }
0x25: {  	[simem:s6], [sflag:s4] =	dma.local [hbm:s3], $0xF7A  }
0x26: {  	[smem:$0x3F9D] =	sst s1;
	(tag) =	ssettag s2;
	_ =	strace s9  }
0x27: {  	s1 =	sld [smem:$0x3FAD]  }
0x28: {  	s2 =	sld [smem:$0x3FAE]  }
0x29: {  	s4 =	sld [smem:$0x3FB0]  }
0x2a: {  	p0 =	seq.s32 s5, $0x0;
	s5 =	sld [smem:$0x3FB1]  }
0x2b: {  	s6 =	sld [smem:$0x3FB2]  }
0x2c: {  	s7 =	sld [smem:$0x3FB3]  }
0x2d: {  	s3 =	simm.s32 $0x108;
	s8 =	sld [smem:$0x3FB4]  }
0x2e: {  	s3 =	simm.s32 @!p0 $0x1082;
	s9 =	sld [smem:$0x3FB5]  }
0x2f: {  	lr =	sadd.s32 s0, s3;
	s0 =	sld [smem:$0x3FAC]  }
0x30: {  	s3 =	sld [smem:$0x3FAF]  }
0x31: {  	[smem:$0x3FB8] =	sst s10  }
0x32: {  	s10 =	sld [smem:$0x3FB6];
	_ =	sdelay $0x3  }
0x33: {  	p0 =	seq.s32 s10, $0x1;
	s10 =	sld [smem:$0x3FB8];
	_ =	sdelay $0x3  }
0x34: {  	[smem:$0x3FB8] =	sst s10  }
0x35: {  	s10 =	sld [smem:$0x3FB7];
	_ =	sdelay $0x3  }
0x36: {  	p1 =	seq.s32 s10, $0x1;
	s10 =	sld [smem:$0x3FB8];
	_ =	sdelay $0x3  }
0x37: {  	[smem:$0x3FB8] =	sst s10  }
0x38: {  	s10 =	sld [smem:$0x3FB9]  }
0x39: {  	_ = 	snop;
	(pc) =	sbr.ind lr, $3  }
0x3a: {  	_ = 	snop  }
0x3b: {  	_ = 	snop  }
0x3c: {  	p2 =	seq.s32 s10, $0x1;
	s10 =	sld [smem:$0x3FB8]  }
0x3d: {  	_ =	shalt  }
0x3e: {  	_ =	shalt  }
0x3f: {  	_ =	shalt  }
0x40: {  	_ =	shalt  }
0x41: {  	_ =	shalt  }
0x42: {  	_ =	shalt  }
0x43: {  	_ =	shalt  }
0x44: {  	_ =	shalt  }
0x45: {  	_ =	shalt  }
0x46: {  	_ =	shalt  }
0x47: {  	_ =	shalt  }
0x48: {  	_ =	shalt  }
0x49: {  	_ =	shalt  }
0x4a: {  	_ =	shalt  }
0x4b: {  	_ =	shalt  }
0x4c: {  	_ =	shalt  }
0x4d: {  	_ =	shalt  }
0x4e: {  	_ =	shalt  }
0x4f: {  	_ =	shalt  }
0x50: {  	_ =	shalt  }
0x51: {  	_ =	shalt  }
0x52: {  	_ =	shalt  }
0x53: {  	_ =	shalt  }
0x54: {  	_ =	shalt  }
0x55: {  	_ =	shalt  }
0x56: {  	_ =	shalt  }
0x57: {  	_ =	shalt  }
0x58: {  	_ =	shalt  }
0x59: {  	_ =	shalt  }
0x5a: {  	_ =	shalt  }
0x5b: {  	_ =	shalt  }
0x5c: {  	_ =	shalt  }
0x5d: {  	_ =	shalt  }
0x5e: {  	_ =	shalt  }
0x5f: {  	_ =	shalt  }
0x60: {  	_ =	shalt  }
0x61: {  	_ =	shalt  }
0x62: {  	_ =	shalt  }
0x63: {  	_ =	shalt  }
0x64: {  	_ =	shalt  }
0x65: {  	_ =	shalt  }
0x66: {  	_ =	shalt  }
0x67: {  	_ =	shalt  }
0x68: {  	_ =	shalt  }
0x69: {  	_ =	shalt  }
0x6a: {  	_ =	shalt  }
0x6b: {  	_ =	shalt  }
0x6c: {  	_ =	shalt  }
0x6d: {  	_ =	shalt  }
0x6e: {  	_ =	shalt  }
0x6f: {  	_ =	shalt  }
0x70: {  	_ =	shalt  }
0x71: {  	_ =	shalt  }
0x72: {  	_ =	shalt  }
0x73: {  	_ =	shalt  }
0x74: {  	_ =	shalt  }
0x75: {  	_ =	shalt  }
0x76: {  	_ =	shalt  }
0x77: {  	_ =	shalt  }
0x78: {  	_ =	shalt  }
0x79: {  	_ =	shalt  }
0x7a: {  	_ =	shalt  }
0x7b: {  	_ =	shalt  }
0x7c: {  	_ =	shalt  }
0x7d: {  	_ =	shalt  }
0x7e: {  	_ =	shalt  }
0x7f: {  	_ =	shalt  }
0x80: {  	_ =	shalt  }
0x81: {  	_ =	shalt  }
0x82: {  	_ =	shalt  }
0x83: {  	_ =	shalt  }
0x84: {  	_ =	shalt  }
0x85: {  	_ =	shalt  }
0x86: {  	_ =	shalt  }
0x87: {  	_ =	shalt  }
.Lfunc_end0:
.L_simem_size_0:
called_computation_lowered:
.L_overlay_start_0:
0x88: {  	s2 =	sld [smem:$0x3FD9]  }
0x89: {  	s3 =	sld [smem:$0x3FFE];
	_ =	sdelay $0x1  }
0x8a: {  	s1 =	srdreg.scid  }
0x8b: {  	s0 =	sand.u32 $0x1, s1  }
0x8c: {  	s17 =	sshll.u32 s0, $0xA;
	s2 =	sadd.s32 s3, s2  }
0x8d: {  	s2 =	sadd.s32 s2, s17  }
0x8e: {  	[smem:$0x3FC4] =	sst s2  }
0x8f: {  	_ = 	snop  }
0x90: {  	s2 =	sld [smem:$0x3FC9]  }
0x91: {  	s18 =	sld [smem:$0x3FD0];
	(tm) =	ssettm $0x1  }
0x92: {  	s4 =	sld [smem:$0x3FFB];
	_ =	sdelay $0x3  }
0x93: {  	_ =	strace s4  }
0x94: {  	s4 =	sld [smem:$0x3FFC];
	_ =	sdelay $0x3  }
0x95: {  	_ =	strace s4  }
0x96: {  	s4 =	sld [smem:$0x3FFD];
	_ =	sdelay $0x3  }
0x97: {  	_ =	strace s4  }
0x98: {  	_ =	strace $0x8FFFFFFF  }
0x99: {  	s19 =	sld [smem:$0x3FDB];
	_ =	sdelay $0x1  }
0x9a: {  	s5 =	simm.s32 $_scs_section_size  }
0x9b: {  	s6 =	simm.s32 $_size__tile_overlayer_lowered;
	s7 =	simm.s32 $_tile_overlayer_lowered  }
0x9c: {  	s22 =	simm.s32 $0x1BFF;
	s21 =	sshll.u32 s7, $0x1;
	s4 =	sadd.s32 s5, s19  }
0x9d: {  	s8 =	simm.s32 $0x0;
	s20 =	sshll.u32 s6, $0x1;
	s6 =	sadd.s32 s21, s4  }
0x9e: {  	[timem:s8], [sflag:s22] =	dma.local [hbm:s6], s20  }
0x9f: {  	_ =	swait.ge [sflag:s22], s20  }
0xa0: {  	s5 =	ssub.s32 $0x0, s20;
	[sflag:s22] =	ssyncset.done $0x0  }
0xa1: {  	[sflag:s22] =	ssyncadd.s32 s5;
	_ =	sdelay $0x1  }
0xa2: {  	s23 =	simm.s32 $0x1B8B  }
0xa3: {  	_ =	swait.ge [sflag:s23], $0x1  }
0xa4: {  	[sflag:s23] =	ssyncset.done $0x0  }
0xa5: {  	s25 =	simm.s32 $0x1B8E;
	s24 =	sld [smem:$0x3FFE];
	[sflag:s23] =	ssyncadd.s32 $0xFFFFFFFF  }
0xa6: {  	s26 =	simm.s32 $execute0_lowered;
	[smem:$0x3FD2] =	sst s25  }
0xa7: {  	s6 =	sshll.u32 s26, $0x1;
	_ =	strace $0x80000046;
	[dreg:$0x1] =	wrdreg $0xFFFFFFFF  }
0xa8: {  	s28 =	simm.s32 $_size_execute0_lowered;
	s4 =	sadd.s32 s4, s6;
	[dreg:$0x0] =	wrdreg $0x0  }
0xa9: {  	s6 =	sshll.u32 s28, $0x1;
	[dreg:$0x2] =	wrdreg s4  }
0xaa: {  	[dreg:$0x3] =	wrdreg s6  }
0xab: {  	[dreg:$0x4] =	wrdreg $0xC0  }
0xac: {  	_ =	task [dreg:s8], $0x5FFFF  }
0xad: {  	[dreg:$0x1] =	wrdreg $0xFFFFFFFF  }
0xae: {  	[dreg:$0x0] =	wrdreg $0x60  }
0xaf: {  	[dreg:$0x2] =	wrdreg s2  }
0xb0: {  	[dreg:$0x3] =	wrdreg s24  }
0xb1: {  	[dreg:$0x4] =	wrdreg s18  }
0xb2: {  	[dreg:$0x5] =	wrdreg $0x102000  }
0xb3: {  	[dreg:$0x6] =	wrdreg $0x9  }
0xb4: {  	_ =	task.clear_ibuf [dreg:s8], $0x7FFFF;
	_ =	strace $0x90000046  }
0xb5: {  	s29 =	simm.s32 $0x9;
	_ =	strace $0x80000048  }
0xb6: {  	_ =	swait.ge [sflag:s29], $0x1  }
0xb7: {  	[sflag:s29] =	ssyncadd.s32 $0xFFFFFFFF  }
0xb8: {  	_ =	strace $0x90000048  }
0xb9: {  	_ =	sfence  }
0xba: {  	s30 =	sld [smem:$0x0];
	_ =	sdelay $0x2  }
0xbb: {  	s31 =	sshll.u32 s1, $0xD;
	s1 =	sshrl.u32 s1, $0x2  }
0xbc: {  	s3 =	sand.u32 $0x4000, s31;
	s1 =	sadd.s32 s1, s30  }
0xbd: {  	s0 =	sor.u32 s3, s0;
	s1 =	sshll.u32 s1, $0x11  }
0xbe: {  	s0 =	sor.u32 s1, s0  }
0xbf: {  	s0 =	sadd.s32 $0x8F2B, s0  }
0xc0: {  	[sflag:s0] =	ssyncadd.remote.s32 $0x1  }
0xc1: {  	_ =	sfence.sel $0xFFFF  }
0xc2: {  	[dreg:$0x0] =	wrdreg $0xFFFFFFFF;
	(pc) =	sbr.abs _section_cstart, $3  }
0xc3: {  	[dreg:$0x1] =	wrdreg $0xFFFFFFFF  }
0xc4: {  	_ =	task.clear_ibuf [dreg:s8], $0x2FFFF;
	_ =	strace $0x9FFFFFFF  }
0xc5: {  	(tm) =	ssettm $0x7FFFFFFF  }
tec
execute0_lowered:
.L_overlay_start_1:
0x0: {  	(tag) =	ssettag $0x1  }
0x1: {  	s1 =	rddreg [dreg:$0x0]  }
0x2: {  	s4 =	rddreg [dreg:$0x1]  }
0x3: {  	s5 =	rddreg [dreg:$0x2]  }
0x4: {  	s2 =	srdreg.scid;
	s3 =	rddreg [dreg:$0x3]  }
0x5: {  	s29 =	stileid.u32;
	s30 =	rddreg [dreg:$0x4]  }
0x6: {  	s28 =	simm.s32 $0x5;
	s21 =	simm.s32 $0x20;
	s18 =	simm.s32 $0x200  }
0x7: {  	s23 =	simm.s32 $0x60;
	s17 =	simm.s32 $0x1200;
	s16 =	simm.s32 $0x80  }
0x8: {  	s15 =	simm.s32 $0x4200;
	s14 =	simm.s32 $0x2;
	s20 =	simm.s32 $0x100  }
0x9: {  	s13 =	simm.s32 $0x8200;
	s19 =	simm.s32 $0x180;
	s6 =	sand.u32 $0x1, s2  }
0xa: {  	s7 =	sshll.u32 s29, $0xA;
	s2 =	simm.s32 $0x0;
	s24 =	sshll.u32 s29, $0xD  }
0xb: {  	p0 =	seq.s32 s29, $0xF;
	s8 =	sshll.u32 s6, $0x9;
	[smem:$0x7FF] =	sst s2  }
0xc: {  	s6 =	ssub.s32 $0x2, s6;
	s8 =	sor.u32 s8, s7;
	_ =	strace $0x80000047  }
0xd: {  	s10 =	sshrl.u32 s6, $0x1;
	s7 =	sadd.s32 s7, s4;
	s9 =	sshrl.u32 s8, $0x3  }
0xe: {  	s11 =	ssub.s32 s6, s10;
	s25 =	sadd.s32 $0xC00, s7;
	s1 =	sadd.s32 s1, s9  }
0xf: {  	s31 =	smax.u32 s11, $0x1;
	[dreg:$0x5] =	wrdreg s1;
	s1 =	sadd.s32 s24, s3  }
0x10: {  	[dreg:$0x6] =	wrdreg s25;
	s25 =	sshrl.u32 @!p0 s1, $0x3;
	s1 =	sadd.s32 $0xFFFFFFFF, s31  }
0x11: {  	p1 =	por $0x0, $0x0;
	s12 =	simm.s32 $0xC200;
	p2 =	sne.s32 s1, $0x0  }
.Ltmp0:
0x12: {  	s22 =	sadd.s32 $0x4800, s4;
	s26 =	sshll.u32 s8, $0x4;
	(pc) =	sbr.rel @!p2 .LBB2_5-.Ltmp0, $4  }
0x13: {  	s7 =	sadd.s32 $0x1E000, s3;
	s8 =	simm.s32 $0x3;
	s10 =	sadd.s32 s5, s26  }
0x14: {  	s11 =	sshll.u32 @!p0 s29, $0x6;
	s26 =	sshrl.u32 @p0 s7, $0x3;
	s7 =	simm.s32 $0x1  }
0x15: {  	s9 =	sadd.s32 $0x200, s10;
	s6 =	sadd.s32 $0x800, s10;
	s5 =	sadd.s32 $0x1000, s10  }
0x16: {  	s4 =	sadd.s32 $0x1800, s10;
	s24 =	sor.u32 @!p0 $0x1C05, s11;
	s11 =	simm.s32 $0x4  }
0x17: {  	s29 =	rddreg [dreg:$0x5]  }
0x18: {  	[tilespmem:s2], [sflag:$0x5] =	stream.linear.gather [hbm4b:s29+s2], $0x200, $0x38;
	[tilespmem:$0x12140] =	vst v63  }
0x19: {  	_ =	swait.ge [sflag:s28], $0x200  }
0x1a: {  	[sflag:s28] =	ssyncset.done $0x0  }
0x1b: {  	s30 =	simm.s32 @p0 $0x5;
	s29 =	simm.s32 @p0 $0x1FC5;
	[sflag:s28] =	ssyncadd.s32 $0xFFFFFE00  }
0x1c: {  	[spmem:s26], [sflag:s29] =	dma.local @p0 [hbm:s22], $0x280  }
0x1d: {  	_ =	swait.ge @p0 [sflag:s30], $0x280  }
0x1e: {  	[sflag:s30] =	ssyncset.done @p0 $0x0  }
0x1f: {  	s31 =	rddreg [dreg:$0x6];
	[sflag:s30] =	ssyncadd.s32 @p0 $0xFFFFFD80  }
0x20: {  	[spmem:s25], [sflag:s24] =	dma.local @!p0 [hbm:s31], $0x400  }
0x21: {  	s31 =	simm.s32 @!p0 $0x5  }
0x22: {  	_ =	swait.ge @!p0 [sflag:s31], $0x400  }
0x23: {  	[sflag:s31] =	ssyncset.done @!p0 $0x0  }
0x24: {  	[sflag:s31] =	ssyncadd.s32 @!p0 $0xFFFFFC00  }
0x25: {  	[bflag:$0x0] =	sbarrier.arrive $0xFFFF  }
0x26: {  	[tilespmem:s18], [sflag:$0x1] =	stream.indirect.gather [spmem:s3], $0x80, s2, s21, $0xb8;
	[tilespmem:$0x12140] =	vst v63  }
0x27: {  	_ = 	snop  }
0x28: {  	[tilespmem:s17], [sflag:$0x2] =	stream.indirect.gather [spmem:s3], $0x80, s21, s23, $0xb8;
	[tilespmem:$0x12140] =	vst v63  }
0x29: {  	_ =	swait.ge [sflag:s7], $0x1000  }
0x2a: {  	[sflag:s7] =	ssyncset.done $0x0  }
0x2b: {  	[sflag:s7] =	ssyncadd.s32 $0xFFFFF000  }
0x2c: {  	[tilespmem:s15], [sflag:$0x1] =	stream.indirect.gather [spmem:s3], $0x80, s16, s16, $0xb8;
	[tilespmem:$0x12140] =	vst v63  }
0x2d: {  	_ = 	snop  }
0x2e: {  	[hbm4b:s10+s2] =	stream.linear.scatter [tilespmem:s18], [sflag:$0x3], $0x1000, $0x38;
	[tilespmem:$0x12140] =	vst v63  }
0x2f: {  	_ =	swait.ge [sflag:s14], $0x3000  }
0x30: {  	[sflag:s14] =	ssyncset.done $0x0  }
0x31: {  	[sflag:s14] =	ssyncadd.s32 $0xFFFFD000  }
0x32: {  	[tilespmem:s13], [sflag:$0x2] =	stream.indirect.gather [spmem:s3], $0x80, s20, s16, $0xb8;
	[tilespmem:$0x12140] =	vst v63  }
0x33: {  	_ = 	snop  }
0x34: {  	[hbm4b:s9+s2] =	stream.linear.scatter [tilespmem:s17], [sflag:$0x4], $0x3000, $0x38;
	[tilespmem:$0x12140] =	vst v63  }
0x35: {  	_ =	swait.ge [sflag:s7], $0x4000  }
0x36: {  	[sflag:s7] =	ssyncset.done $0x0  }
0x37: {  	[sflag:s7] =	ssyncadd.s32 $0xFFFFC000  }
0x38: {  	[tilespmem:s12], [sflag:$0x1] =	stream.indirect.gather [spmem:s3], $0x80, s19, s16, $0xb8;
	[tilespmem:$0x12140] =	vst v63  }
0x39: {  	_ =	swait.ge [sflag:s8], $0x1000  }
0x3a: {  	[sflag:s8] =	ssyncset.done $0x0  }
0x3b: {  	[sflag:s8] =	ssyncadd.s32 $0xFFFFF000  }
0x3c: {  	[hbm4b:s6+s2] =	stream.linear.scatter [tilespmem:s15], [sflag:$0x3], $0x4000, $0x38;
	[tilespmem:$0x12140] =	vst v63  }
0x3d: {  	_ =	swait.ge [sflag:s14], $0x4000  }
0x3e: {  	[sflag:s14] =	ssyncset.done $0x0  }
0x3f: {  	[sflag:s14] =	ssyncadd.s32 $0xFFFFC000  }
0x40: {  	_ =	swait.ge [sflag:s11], $0x3000  }
0x41: {  	[sflag:s11] =	ssyncset.done $0x0  }
0x42: {  	[sflag:s11] =	ssyncadd.s32 $0xFFFFD000  }
0x43: {  	[hbm4b:s5+s2] =	stream.linear.scatter [tilespmem:s13], [sflag:$0x4], $0x4000, $0x38;
	[tilespmem:$0x12140] =	vst v63  }
0x44: {  	_ =	swait.ge [sflag:s7], $0x4000  }
0x45: {  	[sflag:s7] =	ssyncset.done $0x0  }
0x46: {  	[sflag:s7] =	ssyncadd.s32 $0xFFFFC000  }
0x47: {  	_ =	swait.ge [sflag:s8], $0x4000  }
0x48: {  	s1 =	sadd.s32 $0xFFFFFFFF, s1;
	[sflag:s8] =	ssyncset.done $0x0  }
0x49: {  	p2 =	sne.s32 s1, $0x0;
	[sflag:s8] =	ssyncadd.s32 $0xFFFFC000  }
0x4a: {  	[hbm4b:s4+s2] =	stream.linear.scatter [tilespmem:s12], [sflag:$0x3], $0x4000, $0x38;
	[tilespmem:$0x12140] =	vst v63  }
.Ltmp1:
0x4b: {  	_ =	swait.ge [sflag:s11], $0x4000;
	(pc) =	sbr.rel @!p2 .LBB2_2-.Ltmp1, $4  }
0x4c: {  	[sflag:s11] =	ssyncset.done $0x0  }
0x4d: {  	[sflag:s11] =	ssyncadd.s32 $0xFFFFC000  }
0x4e: {  	_ =	swait.ge [sflag:s8], $0x4000  }
0x4f: {  	p1 =	por $0x1, $0x1;
	[sflag:s8] =	ssyncset.done $0x0  }
.LBB2_3:
0x50: {  	s0 =	rddreg [dreg:$0x5];
	[sflag:s8] =	ssyncadd.s32 $0xFFFFC000  }
0x51: {  	[tilespmem:s2], [sflag:$0x5] =	stream.linear.gather [hbm4b:s0+s2], $0x200, $0x38;
	[tilespmem:$0x12140] =	vst v63  }
0x52: {  	_ =	swait.ge [sflag:s28], $0x200  }
0x53: {  	[sflag:s28] =	ssyncset.done $0x0  }
0x54: {  	[sflag:s28] =	ssyncadd.s32 $0xFFFFFE00  }
0x55: {  	[spmem:s26], [sflag:s29] =	dma.local @p0 [hbm:s22], $0x280  }
0x56: {  	_ =	swait.ge @p0 [sflag:s30], $0x280  }
0x57: {  	[sflag:s30] =	ssyncset.done @p0 $0x0  }
0x58: {  	s0 =	rddreg [dreg:$0x6];
	[sflag:s30] =	ssyncadd.s32 @p0 $0xFFFFFD80  }
0x59: {  	[spmem:s25], [sflag:s24] =	dma.local @!p0 [hbm:s0], $0x400  }
0x5a: {  	_ =	swait.ge @!p0 [sflag:s31], $0x400  }
0x5b: {  	[sflag:s31] =	ssyncset.done @!p0 $0x0  }
0x5c: {  	[sflag:s31] =	ssyncadd.s32 @!p0 $0xFFFFFC00  }
0x5d: {  	[bflag:$0x0] =	sbarrier.arrive $0xFFFF  }
0x5e: {  	[tilespmem:s18], [sflag:$0x1] =	stream.indirect.gather [spmem:s3], $0x80, s2, s21, $0xb8;
	[tilespmem:$0x12140] =	vst v63  }
0x5f: {  	_ = 	snop  }
0x60: {  	[tilespmem:s17], [sflag:$0x2] =	stream.indirect.gather [spmem:s3], $0x80, s21, s23, $0xb8;
	[tilespmem:$0x12140] =	vst v63  }
0x61: {  	_ =	swait.ge [sflag:s7], $0x1000  }
0x62: {  	[sflag:s7] =	ssyncset.done $0x0  }
0x63: {  	[sflag:s7] =	ssyncadd.s32 $0xFFFFF000  }
0x64: {  	[tilespmem:s15], [sflag:$0x1] =	stream.indirect.gather [spmem:s3], $0x80, s16, s16, $0xb8;
	[tilespmem:$0x12140] =	vst v63  }
0x65: {  	_ = 	snop  }
0x66: {  	[hbm4b:s10+s2] =	stream.linear.scatter [tilespmem:s18], [sflag:$0x3], $0x1000, $0x38;
	[tilespmem:$0x12140] =	vst v63  }
0x67: {  	_ =	swait.ge [sflag:s14], $0x3000  }
0x68: {  	[sflag:s14] =	ssyncset.done $0x0  }
0x69: {  	[sflag:s14] =	ssyncadd.s32 $0xFFFFD000  }
0x6a: {  	[tilespmem:s13], [sflag:$0x2] =	stream.indirect.gather [spmem:s3], $0x80, s20, s16, $0xb8;
	[tilespmem:$0x12140] =	vst v63  }
0x6b: {  	_ = 	snop  }
0x6c: {  	[hbm4b:s9+s2] =	stream.linear.scatter [tilespmem:s17], [sflag:$0x4], $0x3000, $0x38;
	[tilespmem:$0x12140] =	vst v63  }
0x6d: {  	_ =	swait.ge [sflag:s7], $0x4000  }
0x6e: {  	[sflag:s7] =	ssyncset.done $0x0  }
0x6f: {  	[sflag:s7] =	ssyncadd.s32 $0xFFFFC000  }
0x70: {  	[tilespmem:s12], [sflag:$0x1] =	stream.indirect.gather [spmem:s3], $0x80, s19, s16, $0xb8;
	[tilespmem:$0x12140] =	vst v63  }
0x71: {  	_ =	swait.ge [sflag:s8], $0x1000  }
0x72: {  	[sflag:s8] =	ssyncset.done $0x0  }
0x73: {  	[sflag:s8] =	ssyncadd.s32 $0xFFFFF000  }
0x74: {  	[hbm4b:s6+s2] =	stream.linear.scatter [tilespmem:s15], [sflag:$0x3], $0x4000, $0x38;
	[tilespmem:$0x12140] =	vst v63  }
0x75: {  	_ =	swait.ge [sflag:s14], $0x4000  }
0x76: {  	[sflag:s14] =	ssyncset.done $0x0  }
0x77: {  	[sflag:s14] =	ssyncadd.s32 $0xFFFFC000  }
0x78: {  	_ =	swait.ge [sflag:s11], $0x3000  }
0x79: {  	[sflag:s11] =	ssyncset.done $0x0  }
0x7a: {  	[sflag:s11] =	ssyncadd.s32 $0xFFFFD000  }
0x7b: {  	[hbm4b:s5+s2] =	stream.linear.scatter [tilespmem:s13], [sflag:$0x4], $0x4000, $0x38;
	[tilespmem:$0x12140] =	vst v63  }
0x7c: {  	_ =	swait.ge [sflag:s7], $0x4000  }
0x7d: {  	[sflag:s7] =	ssyncset.done $0x0  }
0x7e: {  	[sflag:s7] =	ssyncadd.s32 $0xFFFFC000  }
0x7f: {  	_ =	swait.ge [sflag:s8], $0x4000  }
0x80: {  	s1 =	sadd.s32 $0xFFFFFFFF, s1;
	[sflag:s8] =	ssyncset.done $0x0  }
0x81: {  	p2 =	sne.s32 s1, $0x0;
	[sflag:s8] =	ssyncadd.s32 $0xFFFFC000  }
0x82: {  	[hbm4b:s4+s2] =	stream.linear.scatter [tilespmem:s12], [sflag:$0x3], $0x4000, $0x38;
	[tilespmem:$0x12140] =	vst v63  }
.Ltmp2:
0x83: {  	_ =	swait.ge [sflag:s11], $0x4000;
	(pc) =	sbr.rel @p2 .LBB2_3-.Ltmp2, $4  }
0x84: {  	[sflag:s11] =	ssyncset.done $0x0  }
0x85: {  	[sflag:s11] =	ssyncadd.s32 $0xFFFFC000  }
0x86: {  	_ =	swait.ge [sflag:s8], $0x4000  }
0x87: {  	[sflag:s8] =	ssyncset.done $0x0  }
0x88: {  	s29 =	stileid.u32;
	s30 =	rddreg [dreg:$0x4]  }
.LBB2_5:
0x89: {  	s0 =	rddreg [dreg:$0x5];
	[sflag:s8] =	ssyncadd.s32 @p1 $0xFFFFC000  }
0x8a: {  	[tilespmem:s2], [sflag:$0x5] =	stream.linear.gather [hbm4b:s0+s2], $0x200, $0x38;
	[tilespmem:$0x12140] =	vst v63  }
0x8b: {  	_ =	swait.ge [sflag:s28], $0x200  }
0x8c: {  	[sflag:s28] =	ssyncset.done $0x0  }
0x8d: {  	s0 =	simm.s32 @p0 $0x1FC5;
	[sflag:s28] =	ssyncadd.s32 $0xFFFFFE00  }
0x8e: {  	[spmem:s26], [sflag:s0] =	dma.local @p0 [hbm:s22], $0x280  }
0x8f: {  	s0 =	simm.s32 @p0 $0x5  }
0x90: {  	_ =	swait.ge @p0 [sflag:s0], $0x280  }
0x91: {  	[sflag:s0] =	ssyncset.done @p0 $0x0  }
0x92: {  	s1 =	rddreg [dreg:$0x6];
	[sflag:s0] =	ssyncadd.s32 @p0 $0xFFFFFD80;
	s0 =	simm.s32 @!p0 $0x5  }
0x93: {  	[spmem:s25], [sflag:s24] =	dma.local @!p0 [hbm:s1], $0x400  }
0x94: {  	_ =	swait.ge @!p0 [sflag:s0], $0x400  }
0x95: {  	[sflag:s0] =	ssyncset.done @!p0 $0x0  }
0x96: {  	[sflag:s0] =	ssyncadd.s32 @!p0 $0xFFFFFC00  }
0x97: {  	[bflag:$0x0] =	sbarrier.arrive $0xFFFF  }
0x98: {  	[tilespmem:s18], [sflag:$0x1] =	stream.indirect.gather [spmem:s3], $0x80, s2, s21, $0xb8;
	[tilespmem:$0x12140] =	vst v63  }
0x99: {  	_ = 	snop  }
0x9a: {  	[tilespmem:s17], [sflag:$0x2] =	stream.indirect.gather [spmem:s3], $0x80, s21, s23, $0xb8;
	[tilespmem:$0x12140] =	vst v63  }
0x9b: {  	_ =	swait.ge [sflag:s7], $0x1000  }
0x9c: {  	[sflag:s7] =	ssyncset.done $0x0  }
0x9d: {  	[sflag:s7] =	ssyncadd.s32 $0xFFFFF000  }
0x9e: {  	[tilespmem:s15], [sflag:$0x1] =	stream.indirect.gather [spmem:s3], $0x80, s16, s16, $0xb8;
	[tilespmem:$0x12140] =	vst v63  }
0x9f: {  	_ = 	snop  }
0xa0: {  	[hbm4b:s10+s2] =	stream.linear.scatter [tilespmem:s18], [sflag:$0x3], $0x1000, $0x38;
	[tilespmem:$0x12140] =	vst v63  }
0xa1: {  	_ =	swait.ge [sflag:s14], $0x3000  }
0xa2: {  	[sflag:s14] =	ssyncset.done $0x0  }
0xa3: {  	[sflag:s14] =	ssyncadd.s32 $0xFFFFD000  }
0xa4: {  	[tilespmem:s13], [sflag:$0x2] =	stream.indirect.gather [spmem:s3], $0x80, s20, s16, $0xb8;
	[tilespmem:$0x12140] =	vst v63  }
0xa5: {  	_ = 	snop  }
0xa6: {  	[hbm4b:s9+s2] =	stream.linear.scatter [tilespmem:s17], [sflag:$0x4], $0x3000, $0x38;
	[tilespmem:$0x12140] =	vst v63  }
0xa7: {  	_ =	swait.ge [sflag:s7], $0x4000  }
0xa8: {  	[sflag:s7] =	ssyncset.done $0x0  }
0xa9: {  	[sflag:s7] =	ssyncadd.s32 $0xFFFFC000  }
0xaa: {  	[tilespmem:s12], [sflag:$0x1] =	stream.indirect.gather [spmem:s3], $0x80, s19, s16, $0xb8;
	[tilespmem:$0x12140] =	vst v63  }
0xab: {  	_ =	swait.ge [sflag:s8], $0x1000  }
0xac: {  	[sflag:s8] =	ssyncset.done $0x0  }
0xad: {  	[sflag:s8] =	ssyncadd.s32 $0xFFFFF000  }
0xae: {  	[hbm4b:s6+s2] =	stream.linear.scatter [tilespmem:s15], [sflag:$0x3], $0x4000, $0x38;
	[tilespmem:$0x12140] =	vst v63  }
0xaf: {  	_ =	swait.ge [sflag:s14], $0x4000  }
0xb0: {  	[sflag:s14] =	ssyncset.done $0x0  }
0xb1: {  	[sflag:s14] =	ssyncadd.s32 $0xFFFFC000  }
0xb2: {  	_ =	swait.ge [sflag:s11], $0x3000  }
0xb3: {  	[sflag:s11] =	ssyncset.done $0x0  }
0xb4: {  	[sflag:s11] =	ssyncadd.s32 $0xFFFFD000  }
0xb5: {  	[hbm4b:s5+s2] =	stream.linear.scatter [tilespmem:s13], [sflag:$0x4], $0x4000, $0x38;
	[tilespmem:$0x12140] =	vst v63  }
0xb6: {  	_ =	swait.ge [sflag:s7], $0x4000  }
0xb7: {  	[sflag:s7] =	ssyncset.done $0x0  }
0xb8: {  	[sflag:s7] =	ssyncadd.s32 $0xFFFFC000  }
0xb9: {  	_ =	swait.ge [sflag:s8], $0x4000  }
0xba: {  	[sflag:s8] =	ssyncset.done $0x0  }
0xbb: {  	[sflag:s8] =	ssyncadd.s32 $0xFFFFC000  }
0xbc: {  	[hbm4b:s4+s2] =	stream.linear.scatter [tilespmem:s12], [sflag:$0x3], $0x4000, $0x38;
	[tilespmem:$0x12140] =	vst v63  }
0xbd: {  	_ =	swait.ge [sflag:s11], $0x4000  }
0xbe: {  	[sflag:s11] =	ssyncset.done $0x0  }
0xbf: {  	[sflag:s11] =	ssyncadd.s32 $0xFFFFC000  }
0xc0: {  	_ =	swait.ge [sflag:s8], $0x4000  }
0xc1: {  	[sflag:s8] =	ssyncset.done $0x0  }
0xc2: {  	[sflag:s8] =	ssyncadd.s32 $0xFFFFC000  }
0xc3: {  	_ =	sfence.sel $0x180000  }
0xc4: {  	[bflag:$0x0] =	sbarrier.arrive $0xFFFF  }
0xc5: {  	p0 =	sne.s32 s29, $0x0;
	_ =	strace $0x90000047  }
0xc6: {  	s0 =	sadd.s32 @!p0 $0x100000, s30;
	[bflag:$0x2] =	sbarrier.arrive $0xFFFF  }
0xc7: {  	[sflag:s0] =	ssyncadd.tile.s32 @!p0 $0x1;
	_ =	shalt  }
.LBB2_2:
.Ltmp3:
0xc8: {  	(pc) =	sbr.rel .LBB2_5-.Ltmp3, $2  }
0xc9: {  	_ =	sdelay $0x2  }
0xca: {  	s29 =	stileid.u32;
	s30 =	rddreg [dreg:$0x4]  }
.Lfunc_end2:
_tile_overlayer_lowered:
.L_overlay_start_2:
0xcb: {  	(tag) =	ssettag $0x2  }
0xcc: {  	s0 =	rddreg [dreg:$0x0];
	s2 =	stileid.u32  }
0xcd: {  	s1 =	rddreg [dreg:$0x1];
	p0 =	sne.s32 s2, $0x0  }
0xce: {  	s3 =	rddreg [dreg:$0x2];
	[bflag:$0x3] =	sbarrier.arrive $0xFFFF;
	s2 =	simm.s32 @!p0 $0x1C05  }
0xcf: {  	[timem:s3], [sflag:s2] =	dma.local @!p0 [hbm:s0], s1  }
0xd0: {  	s0 =	simm.s32 @!p0 $0x5  }
0xd1: {  	_ =	swait.ge @!p0 [sflag:s0], s1  }
0xd2: {  	s1 =	ssub.s32 @!p0 $0x0, s1;
	[sflag:s0] =	ssyncset.done @!p0 $0x0  }
0xd3: {  	[sflag:s0] =	ssyncadd.s32 @!p0 s1  }
0xd4: {  	[bflag:$0x3] =	sbarrier.arrive $0xFFFF  }
0xd5: {  	_ =	shalt  }

</sc_bundles>
